<compile_context>
chip_gen: v7x
topology: tpu7x:2x2x1
jax: 0.10.2.dev20260603
libtpu: 0.0.44.dev20260713+nightly
codegen_flags: <defaults>
</compile_context>

<pallas_src>
import functools

import jax
import jax.numpy as jnp
import numpy as np
from jax import lax
from jax.experimental import pallas as pl
from jax.experimental.pallas import tpu as pltpu
from jax.experimental.pallas import tpu_sc as plsc

_N_NODES = 10000
_N_EDGES = 160000
_N_ELEM = 87
_EMBED_DIM = 28
_NODE_DIM = 128
_NUM_BASIS = 20
_CUTOFF = 5.0
_IRREPS = ((128, 0), (64, 1), (32, 2))
_RSH_DIM = 480

_NC, _NS = 2, 16
_NW = _NC * _NS
_LANES = 16

_NODES_PAD = 10240
_NPT = _NODES_PAD // _NW
_EDGES_PAD = 160256
_EPT = _EDGES_PAD // _NW

_EDGE_BLK = 640


def _make_expand_matrix():
    t = np.zeros((16, _RSH_DIM), dtype=np.float32)
    col = 0
    base = {0: 0, 1: 1, 2: 4}
    for mul, l in _IRREPS:
        width = 2 * l + 1
        for _ in range(mul):
            for k in range(width):
                t[base[l] + k, col] = 1.0
                col += 1
    assert col == _RSH_DIM
    return t


_EXPAND = _make_expand_matrix()


def _table_body(emb_ref, w_ref, b_ref, out_ref):
    out_ref[...] = lax.dot_general(
        emb_ref[...], w_ref[...],
        dimension_numbers=(((1,), (1,)), ((), ())),
        preferred_element_type=jnp.float32,
    ) + b_ref[...]


def _fused_table(embed_table, w, b):
    return pl.pallas_call(
        _table_body,
        out_shape=jax.ShapeDtypeStruct((_N_ELEM, _NODE_DIM), jnp.float32),
    )(embed_table, w, b.reshape(1, _NODE_DIM))


def _sc_body(table, at_no, px_h, py_h, pz_h, src_h, dst_h,
             xout, vx_h, vy_h, vz_h,
             idx_v, rows_v, px, py, pz, sv, dv, ox, oy, oz, sem):
    c = lax.axis_index("c")
    s = lax.axis_index("s")
    wid = s * _NC + c
    nbase = wid * _NPT
    ebase = wid * _EPT

    pltpu.sync_copy(at_no.at[pl.ds(nbase, _NPT)], idx_v)
    pltpu.async_copy(table.at[idx_v], rows_v, sem).wait()
    pltpu.sync_copy(rows_v, xout.at[pl.ds(nbase, _NPT)])

    pltpu.sync_copy(px_h, px)
    pltpu.sync_copy(py_h, py)
    pltpu.sync_copy(pz_h, pz)
    pltpu.sync_copy(src_h.at[pl.ds(ebase, _EPT)], sv)
    pltpu.sync_copy(dst_h.at[pl.ds(ebase, _EPT)], dv)

    def step(i, carry):
        o = i * _LANES
        si = sv[pl.ds(o, _LANES)]
        di = dv[pl.ds(o, _LANES)]
        ox[pl.ds(o, _LANES)] = (plsc.load_gather(px, [si])
                                - plsc.load_gather(px, [di]))
        oy[pl.ds(o, _LANES)] = (plsc.load_gather(py, [si])
                                - plsc.load_gather(py, [di]))
        oz[pl.ds(o, _LANES)] = (plsc.load_gather(pz, [si])
                                - plsc.load_gather(pz, [di]))
        return carry

    lax.fori_loop(0, _EPT // _LANES, step, 0)

    pltpu.sync_copy(ox, vx_h.at[pl.ds(ebase, _EPT)])
    pltpu.sync_copy(oy, vy_h.at[pl.ds(ebase, _EPT)])
    pltpu.sync_copy(oz, vz_h.at[pl.ds(ebase, _EPT)])


@functools.cache
def _sc_gather():
    return pl.kernel(
        _sc_body,
        out_type=[
            jax.ShapeDtypeStruct((_NODES_PAD, _NODE_DIM), jnp.float32),
            jax.ShapeDtypeStruct((_EDGES_PAD,), jnp.float32),
            jax.ShapeDtypeStruct((_EDGES_PAD,), jnp.float32),
            jax.ShapeDtypeStruct((_EDGES_PAD,), jnp.float32),
        ],
        mesh=plsc.VectorSubcoreMesh(
            core_axis_name="c", subcore_axis_name="s",
            num_cores=_NC, num_subcores=_NS),
        compiler_params=pltpu.CompilerParams(needs_layout_passes=False),
        scratch_types=[
            pltpu.VMEM((_NPT,), jnp.int32),
            pltpu.VMEM((_NPT, _NODE_DIM), jnp.float32),
            pltpu.VMEM((_NODES_PAD,), jnp.float32),
            pltpu.VMEM((_NODES_PAD,), jnp.float32),
            pltpu.VMEM((_NODES_PAD,), jnp.float32),
            pltpu.VMEM((_EPT,), jnp.int32),
            pltpu.VMEM((_EPT,), jnp.int32),
            pltpu.VMEM((_EPT,), jnp.float32),
            pltpu.VMEM((_EPT,), jnp.float32),
            pltpu.VMEM((_EPT,), jnp.float32),
            pltpu.SemaphoreType.DMA,
        ],
    )


def _edge_body(vx_ref, vy_ref, vz_ref, t_ref, rbf_ref, fcut_ref, rsh_ref):
    vx = vx_ref[...]
    vy = vy_ref[...]
    vz = vz_ref[...]
    r2 = vx * vx + vy * vy + vz * vz
    inv = lax.rsqrt(r2)
    dist = r2 * inv

    n = lax.broadcasted_iota(
        jnp.int32, (_EDGE_BLK, _NUM_BASIS), 1).astype(jnp.float32) + 1.0
    arg = (dist * (np.pi / _CUTOFF)) * n
    rbf_ref[...] = np.float32(np.sqrt(2.0 / _CUTOFF)) * jnp.sin(arg) * inv

    xr = dist * np.float32(1.0 / _CUTOFF)
    xr2 = xr * xr
    xr5 = xr2 * xr2 * xr
    fcut = 1.0 - 21.0 * xr5 + 35.0 * xr5 * xr - 15.0 * xr5 * xr2
    fcut_ref[...] = jnp.where(xr < 1.0, fcut, 0.0)

    ux = vx * inv
    uy = vy * inv
    uz = vz * inv
    s3 = np.float32(np.sqrt(3.0))
    s5 = np.float32(np.sqrt(5.0))
    s15 = np.float32(np.sqrt(15.0))
    cols = (
        jnp.ones_like(ux),
        s3 * ux,
        s3 * uy,
        s3 * uz,
        s15 * ux * uz,
        s15 * ux * uy,
        s5 * (uy * uy - 0.5 * (ux * ux + uz * uz)),
        s15 * uy * uz,
        (s15 * 0.5) * (uz * uz - ux * ux),
    )
    cidx = lax.broadcasted_iota(jnp.int32, (_EDGE_BLK, 16), 1)
    sh = jnp.zeros((_EDGE_BLK, 16), jnp.float32)
    for k, ck in enumerate(cols):
        sh = jnp.where(cidx == k, ck, sh)
    rsh_ref[...] = jnp.dot(sh, t_ref[...], preferred_element_type=jnp.float32)


def _edge_compute(vx, vy, vz, t):
    nblk = _N_EDGES // _EDGE_BLK
    return pl.pallas_call(
        _edge_body,
        grid=(nblk,),
        in_specs=[
            pl.BlockSpec((_EDGE_BLK, 1), lambda i: (i, 0)),
            pl.BlockSpec((_EDGE_BLK, 1), lambda i: (i, 0)),
            pl.BlockSpec((_EDGE_BLK, 1), lambda i: (i, 0)),
            pl.BlockSpec((16, _RSH_DIM), lambda i: (0, 0)),
        ],
        out_specs=[
            pl.BlockSpec((_EDGE_BLK, _NUM_BASIS), lambda i: (i, 0)),
            pl.BlockSpec((_EDGE_BLK, 1), lambda i: (i, 0)),
            pl.BlockSpec((_EDGE_BLK, _RSH_DIM), lambda i: (i, 0)),
        ],
        out_shape=[
            jax.ShapeDtypeStruct((_N_EDGES, _NUM_BASIS), jnp.float32),
            jax.ShapeDtypeStruct((_N_EDGES, 1), jnp.float32),
            jax.ShapeDtypeStruct((_N_EDGES, _RSH_DIM), jnp.float32),
        ],
    )(vx, vy, vz, t)


def kernel(at_no, pos, edge_index, embed_table, W, b):
    table = _fused_table(embed_table, W, b)

    at_no_pad = jnp.zeros((_NODES_PAD,), jnp.int32).at[:_N_NODES].set(
        at_no.astype(jnp.int32))
    src = jnp.zeros((_EDGES_PAD,), jnp.int32).at[:_N_EDGES].set(
        edge_index[0].astype(jnp.int32))
    dst = jnp.zeros((_EDGES_PAD,), jnp.int32).at[:_N_EDGES].set(
        edge_index[1].astype(jnp.int32))
    ppad = jnp.zeros((_NODES_PAD,), jnp.float32)
    px = ppad.at[:_N_NODES].set(pos[:, 1])
    py = ppad.at[:_N_NODES].set(pos[:, 2])
    pz = ppad.at[:_N_NODES].set(pos[:, 0])

    x_pad, vx, vy, vz = _sc_gather()(table, at_no_pad, px, py, pz, src, dst)

    rbf, fcut, rsh = _edge_compute(
        vx.reshape(_EDGES_PAD, 1),
        vy.reshape(_EDGES_PAD, 1),
        vz.reshape(_EDGES_PAD, 1),
        jnp.asarray(_EXPAND),
    )
    return (x_pad[:_N_NODES], rbf, fcut, rsh)

# --- scband reference (transcript-rebuilt; emitter-appended) ---
"""Pipeline reference for scband-xembedding-38001870635381 (READ-ONLY COPY).

The authoritative reference and input builder live on the scoring server;
editing this copy changes nothing except your own understanding.
"""

import jax, jax.numpy as jnp
import numpy as np

N_NODES = 10000
N_EDGES = 160000
N_ELEM = 87
EMBED_DIM = 28
NODE_DIM = 128
NUM_BASIS = 20
CUTOFF = 5.0
POLY_P = 5
IRREPS = ((128, 0), (64, 1), (32, 2))


def setup_inputs(seed: int = 0):
    key = jax.random.key(seed)
    k1, k2, k3, k4, k5, k6 = jax.random.split(key, 6)
    at_no = jax.random.randint(k1, (N_NODES,), 0, N_ELEM)
    pos = jax.random.normal(k2, (N_NODES, 3), dtype=jnp.float32) * 3.0
    src = jax.random.randint(k3, (N_EDGES,), 0, N_NODES)
    off = jax.random.randint(k4, (N_EDGES,), 1, N_NODES)
    dst = (src + off) % N_NODES  # avoid self-loops -> no zero distances
    edge_index = jnp.stack([src, dst], axis=0)
    embed_table = jax.random.normal(k5, (N_ELEM, EMBED_DIM), dtype=jnp.float32)
    W = jax.random.normal(k6, (NODE_DIM, EMBED_DIM), dtype=jnp.float32) / np.sqrt(EMBED_DIM)
    b = jnp.zeros((NODE_DIM,), dtype=jnp.float32)
    return {"at_no": at_no, "pos": pos, "edge_index": edge_index,
            "embed_table": embed_table, "W": W, "b": b}


def _sph_harm(vec):
    # e3nn SphericalHarmonics(normalize=True, normalization='component') for l=0,1,2,
    # with each l-block repeated per irrep multiplicity (128x0e + 64x1e + 32x2e -> dim 480).
    norm = jnp.linalg.norm(vec, axis=-1, keepdims=True)
    u = vec / norm
    x, y, z = u[..., 0], u[..., 1], u[..., 2]
    sh0 = jnp.ones_like(x)[..., None]
    s3 = np.sqrt(3.0)
    sh1 = jnp.stack([s3 * x, s3 * y, s3 * z], axis=-1)
    s15 = np.sqrt(15.0)
    s5 = np.sqrt(5.0)
    sh2 = jnp.stack([
        s15 * x * z,
        s15 * x * y,
        s5 * (y ** 2 - 0.5 * (x ** 2 + z ** 2)),
        s15 * y * z,
        (s15 / 2.0) * (z ** 2 - x ** 2),
    ], axis=-1)
    blocks = {0: sh0, 1: sh1, 2: sh2}
    out = []
    for mul, l in IRREPS:
        out.append(jnp.tile(blocks[l], (1, mul)))
    return jnp.concatenate(out, axis=-1)


def reference(at_no, pos, edge_index, embed_table, W, b):
    # pos = pos[:, [1, 2, 0]]
    pos = jnp.take(pos, jnp.array([1, 2, 0]), axis=1)
    vec = pos[edge_index[0]] - pos[edge_index[1]]
    dist = jnp.linalg.norm(vec, axis=-1, keepdims=True)
    # Int2c1eEmbedding: fixed per-element table lookup
    x = embed_table[at_no]
    x_scalar = x @ W.T + b
    # spherical Bessel j0 radial basis: sqrt(2/c) * sin(n*pi*d/c) / d, n = 1..num_basis
    n = jnp.arange(1, NUM_BASIS + 1, dtype=jnp.float32)
    rbf = np.sqrt(2.0 / CUTOFF) * jnp.sin(n * jnp.pi * dist / CUTOFF) / dist
    # polynomial cutoff (order p)
    p = float(POLY_P)
    xr = dist / CUTOFF
    fcut = (1.0 - 0.5 * (p + 1.0) * (p + 2.0) * xr ** POLY_P
            + p * (p + 2.0) * xr ** (POLY_P + 1)
            - 0.5 * p * (p + 1.0) * xr ** (POLY_P + 2)) * (xr < 1.0).astype(jnp.float32)
    rsh = _sph_harm(vec)
    return (x_scalar, rbf, fcut, rsh)

if __name__ == "__main__":
    import jax
    _d = setup_inputs()
    print(jax.jit(kernel)(*tuple(_d.values())))

</pallas_src>

<mosaic_0001>
#map = affine_map<(d0, d1) -> (0, 0)>
#map1 = affine_map<(d0, d1) -> (0)>
module attributes {stable_mosaic.version = 14 : i64} {
  func.func @_sc_body(%arg0: i32, %arg1: i32, %arg2: memref<87x128xf32, #tpu.memory_space<hbm>>, %arg3: memref<10240xi32, #tpu.memory_space<hbm>>, %arg4: memref<10240xf32, #tpu.memory_space<hbm>>, %arg5: memref<10240xf32, #tpu.memory_space<hbm>>, %arg6: memref<10240xf32, #tpu.memory_space<hbm>>, %arg7: memref<160256xi32, #tpu.memory_space<hbm>>, %arg8: memref<160256xi32, #tpu.memory_space<hbm>>, %arg9: memref<10240x128xf32, #tpu.memory_space<hbm>>, %arg10: memref<160256xf32, #tpu.memory_space<hbm>>, %arg11: memref<160256xf32, #tpu.memory_space<hbm>>, %arg12: memref<160256xf32, #tpu.memory_space<hbm>>, %arg13: memref<320xi32, #tpu.memory_space<vmem>>, %arg14: memref<320x128xf32, #tpu.memory_space<vmem>>, %arg15: memref<10240xf32, #tpu.memory_space<vmem>>, %arg16: memref<10240xf32, #tpu.memory_space<vmem>>, %arg17: memref<10240xf32, #tpu.memory_space<vmem>>, %arg18: memref<5008xi32, #tpu.memory_space<vmem>>, %arg19: memref<5008xi32, #tpu.memory_space<vmem>>, %arg20: memref<5008xf32, #tpu.memory_space<vmem>>, %arg21: memref<5008xf32, #tpu.memory_space<vmem>>, %arg22: memref<5008xf32, #tpu.memory_space<vmem>>, %arg23: memref<!tpu.dma_semaphore, #tpu.memory_space<semaphore_mem>>) attributes {dimension_semantics = [#tpu.dimension_semantics<core_parallel>, #tpu.dimension_semantics<subcore_parallel>], iteration_bounds = array<i64: 2, 16>, scalar_prefetch = 0 : i64, scratch_operands = 11 : i64, tpu.core_type = #tpu.core_type<sc_vector_subcore>, window_params = [{transform_indices = #map}, {transform_indices = #map1}, {transform_indices = #map1}, {transform_indices = #map1}, {transform_indices = #map1}, {transform_indices = #map1}, {transform_indices = #map1}, {transform_indices = #map}, {transform_indices = #map1}, {transform_indices = #map1}, {transform_indices = #map1}]} {
    %mul3A = arith.constant 2 : i32
    %mul3A_0 = arith.muli %arg1, %mul3A : i32
    %add3A = arith.addi %mul3A_0, %arg0 : i32
    %mul3A_1 = arith.constant 320 : i32
    %mul3A_2 = arith.muli %add3A, %mul3A_1 : i32
    %mul3A_3 = arith.constant 5008 : i32
    %mul3A_4 = arith.muli %add3A, %mul3A_3 : i32
    "tpu.region"() ({
      %run_scoped3A = tpu.sem_alloc : memref<!tpu.dma_semaphore, #tpu.memory_space<semaphore_mem>>
      %dma_start3A_14 = tpu.memref_slice %arg3[%mul3A_2] : memref<10240xi32, #tpu.memory_space<hbm>> -> memref<320xi32, #tpu.memory_space<hbm>>
      %dma_start3A_15 = tpu.memref_slice %arg3[%mul3A_2] : memref<10240xi32, #tpu.memory_space<hbm>> -> memref<320xi32, #tpu.memory_space<hbm>>
      tpu.enqueue_dma source(%dma_start3A_15 : memref<320xi32, #tpu.memory_space<hbm>>) target(%arg13 : memref<320xi32, #tpu.memory_space<vmem>>) target_semaphore(%run_scoped3A : memref<!tpu.dma_semaphore, #tpu.memory_space<semaphore_mem>>)
      %dma_wait3A_16 = tpu.memref_slice %arg3[%mul3A_2] : memref<10240xi32, #tpu.memory_space<hbm>> -> memref<320xi32, #tpu.memory_space<hbm>>
      %dma_wait3A_17 = tpu.memref_slice %arg3[%mul3A_2] : memref<10240xi32, #tpu.memory_space<hbm>> -> memref<320xi32, #tpu.memory_space<hbm>>
      tpu.wait_dma2 semaphore(%run_scoped3A : memref<!tpu.dma_semaphore, #tpu.memory_space<semaphore_mem>>) src(%dma_wait3A_17 : memref<320xi32, #tpu.memory_space<hbm>>) dst(%arg13 : memref<320xi32, #tpu.memory_space<vmem>>)
      tpu.yield
    }) : () -> ()
    %dma_start3A = arith.constant 0 : i32
    %dma_start3A_5 = arith.constant 0 : i32
    %dma_start3A_6 = tpu.memref_slice %arg2[%dma_start3A, %dma_start3A_5] : memref<87x128xf32, #tpu.memory_space<hbm>> -> memref<87x128xf32, #tpu.memory_space<hbm>>
    tpu.enqueue_indirect_dma source(%dma_start3A_6 : memref<87x128xf32, #tpu.memory_space<hbm>>) target(%arg14 : memref<320x128xf32, #tpu.memory_space<vmem>>) offsets(%arg13 : memref<320xi32, #tpu.memory_space<vmem>>) semaphore(%arg23 : memref<!tpu.dma_semaphore, #tpu.memory_space<semaphore_mem>>)
    %dma_wait3A = arith.constant 0 : i32
    %dma_wait3A_7 = arith.constant 0 : i32
    %dma_wait3A_8 = tpu.memref_slice %arg2[%dma_wait3A, %dma_wait3A_7] : memref<87x128xf32, #tpu.memory_space<hbm>> -> memref<87x128xf32, #tpu.memory_space<hbm>>
    tpu.wait_indirect_dma semaphore(%arg23 : memref<!tpu.dma_semaphore, #tpu.memory_space<semaphore_mem>>) src(%dma_wait3A_8 : memref<87x128xf32, #tpu.memory_space<hbm>>) dst(%arg14 : memref<320x128xf32, #tpu.memory_space<vmem>>)
    "tpu.region"() ({
      %run_scoped3A = tpu.sem_alloc : memref<!tpu.dma_semaphore, #tpu.memory_space<semaphore_mem>>
      %dma_start3A_14 = arith.constant 0 : i32
      %dma_start3A_15 = tpu.memref_slice %arg9[%mul3A_2, %dma_start3A_14] : memref<10240x128xf32, #tpu.memory_space<hbm>> -> memref<320x128xf32, #tpu.memory_space<hbm>>
      %dma_start3A_16 = arith.constant 0 : i32
      %dma_start3A_17 = tpu.memref_slice %arg9[%mul3A_2, %dma_start3A_16] : memref<10240x128xf32, #tpu.memory_space<hbm>> -> memref<320x128xf32, #tpu.memory_space<hbm>>
      tpu.enqueue_dma source(%arg14 : memref<320x128xf32, #tpu.memory_space<vmem>>) target(%dma_start3A_17 : memref<320x128xf32, #tpu.memory_space<hbm>>) target_semaphore(%run_scoped3A : memref<!tpu.dma_semaphore, #tpu.memory_space<semaphore_mem>>)
      %dma_wait3A_18 = arith.constant 0 : i32
      %dma_wait3A_19 = tpu.memref_slice %arg9[%mul3A_2, %dma_wait3A_18] : memref<10240x128xf32, #tpu.memory_space<hbm>> -> memref<320x128xf32, #tpu.memory_space<hbm>>
      %dma_wait3A_20 = arith.constant 0 : i32
      %dma_wait3A_21 = tpu.memref_slice %arg9[%mul3A_2, %dma_wait3A_20] : memref<10240x128xf32, #tpu.memory_space<hbm>> -> memref<320x128xf32, #tpu.memory_space<hbm>>
      tpu.wait_dma2 semaphore(%run_scoped3A : memref<!tpu.dma_semaphore, #tpu.memory_space<semaphore_mem>>) src(%arg14 : memref<320x128xf32, #tpu.memory_space<vmem>>) dst(%dma_wait3A_21 : memref<320x128xf32, #tpu.memory_space<hbm>>)
      tpu.yield
    }) : () -> ()
    "tpu.region"() ({
      %run_scoped3A = tpu.sem_alloc : memref<!tpu.dma_semaphore, #tpu.memory_space<semaphore_mem>>
      tpu.enqueue_dma source(%arg4 : memref<10240xf32, #tpu.memory_space<hbm>>) target(%arg15 : memref<10240xf32, #tpu.memory_space<vmem>>) target_semaphore(%run_scoped3A : memref<!tpu.dma_semaphore, #tpu.memory_space<semaphore_mem>>)
      tpu.wait_dma2 semaphore(%run_scoped3A : memref<!tpu.dma_semaphore, #tpu.memory_space<semaphore_mem>>) src(%arg4 : memref<10240xf32, #tpu.memory_space<hbm>>) dst(%arg15 : memref<10240xf32, #tpu.memory_space<vmem>>)
      tpu.yield
    }) : () -> ()
    "tpu.region"() ({
      %run_scoped3A = tpu.sem_alloc : memref<!tpu.dma_semaphore, #tpu.memory_space<semaphore_mem>>
      tpu.enqueue_dma source(%arg5 : memref<10240xf32, #tpu.memory_space<hbm>>) target(%arg16 : memref<10240xf32, #tpu.memory_space<vmem>>) target_semaphore(%run_scoped3A : memref<!tpu.dma_semaphore, #tpu.memory_space<semaphore_mem>>)
      tpu.wait_dma2 semaphore(%run_scoped3A : memref<!tpu.dma_semaphore, #tpu.memory_space<semaphore_mem>>) src(%arg5 : memref<10240xf32, #tpu.memory_space<hbm>>) dst(%arg16 : memref<10240xf32, #tpu.memory_space<vmem>>)
      tpu.yield
    }) : () -> ()
    "tpu.region"() ({
      %run_scoped3A = tpu.sem_alloc : memref<!tpu.dma_semaphore, #tpu.memory_space<semaphore_mem>>
      tpu.enqueue_dma source(%arg6 : memref<10240xf32, #tpu.memory_space<hbm>>) target(%arg17 : memref<10240xf32, #tpu.memory_space<vmem>>) target_semaphore(%run_scoped3A : memref<!tpu.dma_semaphore, #tpu.memory_space<semaphore_mem>>)
      tpu.wait_dma2 semaphore(%run_scoped3A : memref<!tpu.dma_semaphore, #tpu.memory_space<semaphore_mem>>) src(%arg6 : memref<10240xf32, #tpu.memory_space<hbm>>) dst(%arg17 : memref<10240xf32, #tpu.memory_space<vmem>>)
      tpu.yield
    }) : () -> ()
    "tpu.region"() ({
      %run_scoped3A = tpu.sem_alloc : memref<!tpu.dma_semaphore, #tpu.memory_space<semaphore_mem>>
      %dma_start3A_14 = tpu.memref_slice %arg7[%mul3A_4] : memref<160256xi32, #tpu.memory_space<hbm>> -> memref<5008xi32, #tpu.memory_space<hbm>>
      %dma_start3A_15 = tpu.memref_slice %arg7[%mul3A_4] : memref<160256xi32, #tpu.memory_space<hbm>> -> memref<5008xi32, #tpu.memory_space<hbm>>
      tpu.enqueue_dma source(%dma_start3A_15 : memref<5008xi32, #tpu.memory_space<hbm>>) target(%arg18 : memref<5008xi32, #tpu.memory_space<vmem>>) target_semaphore(%run_scoped3A : memref<!tpu.dma_semaphore, #tpu.memory_space<semaphore_mem>>)
      %dma_wait3A_16 = tpu.memref_slice %arg7[%mul3A_4] : memref<160256xi32, #tpu.memory_space<hbm>> -> memref<5008xi32, #tpu.memory_space<hbm>>
      %dma_wait3A_17 = tpu.memref_slice %arg7[%mul3A_4] : memref<160256xi32, #tpu.memory_space<hbm>> -> memref<5008xi32, #tpu.memory_space<hbm>>
      tpu.wait_dma2 semaphore(%run_scoped3A : memref<!tpu.dma_semaphore, #tpu.memory_space<semaphore_mem>>) src(%dma_wait3A_17 : memref<5008xi32, #tpu.memory_space<hbm>>) dst(%arg18 : memref<5008xi32, #tpu.memory_space<vmem>>)
      tpu.yield
    }) : () -> ()
    "tpu.region"() ({
      %run_scoped3A = tpu.sem_alloc : memref<!tpu.dma_semaphore, #tpu.memory_space<semaphore_mem>>
      %dma_start3A_14 = tpu.memref_slice %arg8[%mul3A_4] : memref<160256xi32, #tpu.memory_space<hbm>> -> memref<5008xi32, #tpu.memory_space<hbm>>
      %dma_start3A_15 = tpu.memref_slice %arg8[%mul3A_4] : memref<160256xi32, #tpu.memory_space<hbm>> -> memref<5008xi32, #tpu.memory_space<hbm>>
      tpu.enqueue_dma source(%dma_start3A_15 : memref<5008xi32, #tpu.memory_space<hbm>>) target(%arg19 : memref<5008xi32, #tpu.memory_space<vmem>>) target_semaphore(%run_scoped3A : memref<!tpu.dma_semaphore, #tpu.memory_space<semaphore_mem>>)
      %dma_wait3A_16 = tpu.memref_slice %arg8[%mul3A_4] : memref<160256xi32, #tpu.memory_space<hbm>> -> memref<5008xi32, #tpu.memory_space<hbm>>
      %dma_wait3A_17 = tpu.memref_slice %arg8[%mul3A_4] : memref<160256xi32, #tpu.memory_space<hbm>> -> memref<5008xi32, #tpu.memory_space<hbm>>
      tpu.wait_dma2 semaphore(%run_scoped3A : memref<!tpu.dma_semaphore, #tpu.memory_space<semaphore_mem>>) src(%dma_wait3A_17 : memref<5008xi32, #tpu.memory_space<hbm>>) dst(%arg19 : memref<5008xi32, #tpu.memory_space<vmem>>)
      tpu.yield
    }) : () -> ()
    %scan3A = arith.constant 0 : i32
    %scan3A_9 = arith.constant 0 : i32
    %scan3A_10 = arith.constant 313 : i32
    %scan3A_11 = arith.addi %scan3A_9, %scan3A_10 : i32
    %scan3A_12 = arith.constant 1 : i32
    scf.for %scan3A_14 = %scan3A_9 to %scan3A_11 step %scan3A_12  : i32 {
      %mul3A_15 = arith.constant 16 : i32
      %mul3A_16 = arith.muli %scan3A_14, %mul3A_15 : i32
      %get3A = arith.index_cast %mul3A_16 : i32 to index
      %get3A_17 = tpu.vector_load %arg18[%get3A] {strides = array<i32>} : memref<5008xi32, #tpu.memory_space<vmem>>, vector<16xi32>,
      %get3A_18 = arith.index_cast %mul3A_16 : i32 to index
      %get3A_19 = tpu.vector_load %arg19[%get3A_18] {strides = array<i32>} : memref<5008xi32, #tpu.memory_space<vmem>>, vector<16xi32>,
      %gather3A = tpu.vector_load_idx %arg15[%get3A_17] : memref<10240xf32, #tpu.memory_space<vmem>>[vector<16xi32>], vector<16xf32>,
      %gather3A_20 = tpu.vector_load_idx %arg15[%get3A_19] : memref<10240xf32, #tpu.memory_space<vmem>>[vector<16xi32>], vector<16xf32>,
      %sub3A = arith.subf %gather3A, %gather3A_20 : vector<16xf32>
      %swap3A = arith.index_cast %mul3A_16 : i32 to index
      %swap3A_21 = tpu.vector_load %arg20[%swap3A] {strides = array<i32>} : memref<5008xf32, #tpu.memory_space<vmem>>, vector<16xf32>,
      tpu.vector_store %arg20[%swap3A], %sub3A {strides = array<i32>} : memref<5008xf32, #tpu.memory_space<vmem>>, vector<16xf32>,
      %gather3A_22 = tpu.vector_load_idx %arg16[%get3A_17] : memref<10240xf32, #tpu.memory_space<vmem>>[vector<16xi32>], vector<16xf32>,
      %gather3A_23 = tpu.vector_load_idx %arg16[%get3A_19] : memref<10240xf32, #tpu.memory_space<vmem>>[vector<16xi32>], vector<16xf32>,
      %sub3A_24 = arith.subf %gather3A_22, %gather3A_23 : vector<16xf32>
      %swap3A_25 = arith.index_cast %mul3A_16 : i32 to index
      %swap3A_26 = tpu.vector_load %arg21[%swap3A_25] {strides = array<i32>} : memref<5008xf32, #tpu.memory_space<vmem>>, vector<16xf32>,
      tpu.vector_store %arg21[%swap3A_25], %sub3A_24 {strides = array<i32>} : memref<5008xf32, #tpu.memory_space<vmem>>, vector<16xf32>,
      %gather3A_27 = tpu.vector_load_idx %arg17[%get3A_17] : memref<10240xf32, #tpu.memory_space<vmem>>[vector<16xi32>], vector<16xf32>,
      %gather3A_28 = tpu.vector_load_idx %arg17[%get3A_19] : memref<10240xf32, #tpu.memory_space<vmem>>[vector<16xi32>], vector<16xf32>,
      %sub3A_29 = arith.subf %gather3A_27, %gather3A_28 : vector<16xf32>
      %swap3A_30 = arith.index_cast %mul3A_16 : i32 to index
      %swap3A_31 = tpu.vector_load %arg22[%swap3A_30] {strides = array<i32>} : memref<5008xf32, #tpu.memory_space<vmem>>, vector<16xf32>,
      tpu.vector_store %arg22[%swap3A_30], %sub3A_29 {strides = array<i32>} : memref<5008xf32, #tpu.memory_space<vmem>>, vector<16xf32>,
    }
    %scan3A_13 = arith.constant 313 : i32
    "tpu.region"() ({
      %run_scoped3A = tpu.sem_alloc : memref<!tpu.dma_semaphore, #tpu.memory_space<semaphore_mem>>
      %dma_start3A_14 = tpu.memref_slice %arg10[%mul3A_4] : memref<160256xf32, #tpu.memory_space<hbm>> -> memref<5008xf32, #tpu.memory_space<hbm>>
      %dma_start3A_15 = tpu.memref_slice %arg10[%mul3A_4] : memref<160256xf32, #tpu.memory_space<hbm>> -> memref<5008xf32, #tpu.memory_space<hbm>>
      tpu.enqueue_dma source(%arg20 : memref<5008xf32, #tpu.memory_space<vmem>>) target(%dma_start3A_15 : memref<5008xf32, #tpu.memory_space<hbm>>) target_semaphore(%run_scoped3A : memref<!tpu.dma_semaphore, #tpu.memory_space<semaphore_mem>>)
      %dma_wait3A_16 = tpu.memref_slice %arg10[%mul3A_4] : memref<160256xf32, #tpu.memory_space<hbm>> -> memref<5008xf32, #tpu.memory_space<hbm>>
      %dma_wait3A_17 = tpu.memref_slice %arg10[%mul3A_4] : memref<160256xf32, #tpu.memory_space<hbm>> -> memref<5008xf32, #tpu.memory_space<hbm>>
      tpu.wait_dma2 semaphore(%run_scoped3A : memref<!tpu.dma_semaphore, #tpu.memory_space<semaphore_mem>>) src(%arg20 : memref<5008xf32, #tpu.memory_space<vmem>>) dst(%dma_wait3A_17 : memref<5008xf32, #tpu.memory_space<hbm>>)
      tpu.yield
    }) : () -> ()
    "tpu.region"() ({
      %run_scoped3A = tpu.sem_alloc : memref<!tpu.dma_semaphore, #tpu.memory_space<semaphore_mem>>
      %dma_start3A_14 = tpu.memref_slice %arg11[%mul3A_4] : memref<160256xf32, #tpu.memory_space<hbm>> -> memref<5008xf32, #tpu.memory_space<hbm>>
      %dma_start3A_15 = tpu.memref_slice %arg11[%mul3A_4] : memref<160256xf32, #tpu.memory_space<hbm>> -> memref<5008xf32, #tpu.memory_space<hbm>>
      tpu.enqueue_dma source(%arg21 : memref<5008xf32, #tpu.memory_space<vmem>>) target(%dma_start3A_15 : memref<5008xf32, #tpu.memory_space<hbm>>) target_semaphore(%run_scoped3A : memref<!tpu.dma_semaphore, #tpu.memory_space<semaphore_mem>>)
      %dma_wait3A_16 = tpu.memref_slice %arg11[%mul3A_4] : memref<160256xf32, #tpu.memory_space<hbm>> -> memref<5008xf32, #tpu.memory_space<hbm>>
      %dma_wait3A_17 = tpu.memref_slice %arg11[%mul3A_4] : memref<160256xf32, #tpu.memory_space<hbm>> -> memref<5008xf32, #tpu.memory_space<hbm>>
      tpu.wait_dma2 semaphore(%run_scoped3A : memref<!tpu.dma_semaphore, #tpu.memory_space<semaphore_mem>>) src(%arg21 : memref<5008xf32, #tpu.memory_space<vmem>>) dst(%dma_wait3A_17 : memref<5008xf32, #tpu.memory_space<hbm>>)
      tpu.yield
    }) : () -> ()
    "tpu.region"() ({
      %run_scoped3A = tpu.sem_alloc : memref<!tpu.dma_semaphore, #tpu.memory_space<semaphore_mem>>
      %dma_start3A_14 = tpu.memref_slice %arg12[%mul3A_4] : memref<160256xf32, #tpu.memory_space<hbm>> -> memref<5008xf32, #tpu.memory_space<hbm>>
      %dma_start3A_15 = tpu.memref_slice %arg12[%mul3A_4] : memref<160256xf32, #tpu.memory_space<hbm>> -> memref<5008xf32, #tpu.memory_space<hbm>>
      tpu.enqueue_dma source(%arg22 : memref<5008xf32, #tpu.memory_space<vmem>>) target(%dma_start3A_15 : memref<5008xf32, #tpu.memory_space<hbm>>) target_semaphore(%run_scoped3A : memref<!tpu.dma_semaphore, #tpu.memory_space<semaphore_mem>>)
      %dma_wait3A_16 = tpu.memref_slice %arg12[%mul3A_4] : memref<160256xf32, #tpu.memory_space<hbm>> -> memref<5008xf32, #tpu.memory_space<hbm>>
      %dma_wait3A_17 = tpu.memref_slice %arg12[%mul3A_4] : memref<160256xf32, #tpu.memory_space<hbm>> -> memref<5008xf32, #tpu.memory_space<hbm>>
      tpu.wait_dma2 semaphore(%run_scoped3A : memref<!tpu.dma_semaphore, #tpu.memory_space<semaphore_mem>>) src(%arg22 : memref<5008xf32, #tpu.memory_space<vmem>>) dst(%dma_wait3A_17 : memref<5008xf32, #tpu.memory_space<hbm>>)
      tpu.yield
    }) : () -> ()
    return
  }
}

module attributes {stable_mosaic.version = 14 : i64} {
  func.func @_table_body(%arg0: memref<87x28xf32, #tpu.memory_space<vmem>>, %arg1: memref<128x28xf32, #tpu.memory_space<vmem>>, %arg2: memref<1x128xf32, #tpu.memory_space<vmem>>, %arg3: memref<87x128xf32, #tpu.memory_space<vmem>>) attributes {dimension_semantics = [], scalar_prefetch = 0 : i64, scratch_operands = 0 : i64, tpu.core_type = #tpu.core_type<tc>} {
    %get3A = arith.constant 0 : index
    %get3A_0 = arith.constant 0 : index
    %get3A_1 = vector.load %arg0[%get3A, %get3A_0] : memref<87x28xf32, #tpu.memory_space<vmem>>, vector<87x28xf32>
    %get3A_2 = arith.constant 0 : index
    %get3A_3 = arith.constant 0 : index
    %get3A_4 = vector.load %arg1[%get3A_2, %get3A_3] : memref<128x28xf32, #tpu.memory_space<vmem>>, vector<128x28xf32>
    %dot_general3A = arith.constant dense<0.000000e+00> : vector<87x128xf32>
    %dot_general3A_5 = tpu.matmul %get3A_1, %get3A_4, %dot_general3A {dimension_numbers = #tpu.dot_dimension_numbers<[1], [1], [0], [0], [0, 0, 1, 0], [], []>, transpose_lhs_hint = false} : vector<87x28xf32>, vector<128x28xf32>, vector<87x128xf32> -> vector<87x128xf32>
    %get3A_6 = arith.constant 0 : index
    %get3A_7 = arith.constant 0 : index
    %get3A_8 = vector.load %arg2[%get3A_6, %get3A_7] : memref<1x128xf32, #tpu.memory_space<vmem>>, vector<1x128xf32>
    %add3A = vector.broadcast %get3A_8 : vector<1x128xf32> to vector<87x128xf32>
    %add3A_9 = arith.addf %dot_general3A_5, %add3A : vector<87x128xf32>
    %swap3A = arith.constant 0 : index
    %swap3A_10 = arith.constant 0 : index
    %swap3A_11 = vector.load %arg3[%swap3A, %swap3A_10] : memref<87x128xf32, #tpu.memory_space<vmem>>, vector<87x128xf32>
    tpu.vector_store %arg3[%swap3A, %swap3A_10], %add3A_9 {strides = array<i32>} : memref<87x128xf32, #tpu.memory_space<vmem>>, vector<87x128xf32>,
    return
  }
}

module attributes {stable_mosaic.version = 14 : i64} {
  func.func @_edge_body(%arg0: i32, %arg1: memref<640x1xf32, #tpu.memory_space<vmem>>, %arg2: memref<640x1xf32, #tpu.memory_space<vmem>>, %arg3: memref<640x1xf32, #tpu.memory_space<vmem>>, %arg4: memref<16x480xf32, #tpu.memory_space<vmem>>, %arg5: memref<640x20xf32, #tpu.memory_space<vmem>>, %arg6: memref<640x1xf32, #tpu.memory_space<vmem>>, %arg7: memref<640x480xf32, #tpu.memory_space<vmem>>) attributes {dimension_semantics = [#tpu.dimension_semantics<arbitrary>], iteration_bounds = array<i64: 250>, scalar_prefetch = 0 : i64, scratch_operands = 0 : i64, tpu.core_type = #tpu.core_type<tc>, window_params = [{transform_indices = @transform_0, window_bounds = array<i64: 640, 1>}, {transform_indices = @transform_1, window_bounds = array<i64: 640, 1>}, {transform_indices = @transform_2, window_bounds = array<i64: 640, 1>}, {pipeline_mode = #tpu.pipeline_mode<synchronous>, transform_indices = @transform_3, window_bounds = array<i64: 16, 480>}, {transform_indices = @transform_4, window_bounds = array<i64: 640, 20>}, {transform_indices = @transform_5, window_bounds = array<i64: 640, 1>}, {transform_indices = @transform_6, window_bounds = array<i64: 640, 480>}]} {
    %get3A = arith.constant 0 : index
    %get3A_0 = arith.constant 0 : index
    %get3A_1 = vector.load %arg1[%get3A, %get3A_0] : memref<640x1xf32, #tpu.memory_space<vmem>>, vector<640x1xf32>
    %get3A_2 = arith.constant 0 : index
    %get3A_3 = arith.constant 0 : index
    %get3A_4 = vector.load %arg2[%get3A_2, %get3A_3] : memref<640x1xf32, #tpu.memory_space<vmem>>, vector<640x1xf32>
    %get3A_5 = arith.constant 0 : index
    %get3A_6 = arith.constant 0 : index
    %get3A_7 = vector.load %arg3[%get3A_5, %get3A_6] : memref<640x1xf32, #tpu.memory_space<vmem>>, vector<640x1xf32>
    %mul3A = arith.mulf %get3A_1, %get3A_1 : vector<640x1xf32>
    %mul3A_8 = arith.mulf %get3A_4, %get3A_4 : vector<640x1xf32>
    %add3A = arith.addf %mul3A, %mul3A_8 : vector<640x1xf32>
    %mul3A_9 = arith.mulf %get3A_7, %get3A_7 : vector<640x1xf32>
    %add3A_10 = arith.addf %add3A, %mul3A_9 : vector<640x1xf32>
    %rsqrt3A = math.rsqrt %add3A_10 : vector<640x1xf32>
    %mul3A_11 = arith.mulf %add3A_10, %rsqrt3A : vector<640x1xf32>
    %iota3A = tpu.iota {dimensions = array<i32: 1>} : vector<640x20xi32>
    %convert_element_type3A = arith.sitofp %iota3A : vector<640x20xi32> to vector<640x20xf32>
    %add3A_12 = arith.constant 1.000000e+00 : f32
    %add3A_13 = vector.broadcast %add3A_12 : f32 to vector<640x20xf32>
    %add3A_14 = arith.addf %convert_element_type3A, %add3A_13 : vector<640x20xf32>
    %mul3A_15 = arith.constant 0.628318548 : f32
    %mul3A_16 = vector.broadcast %mul3A_15 : f32 to vector<640x1xf32>
    %mul3A_17 = arith.mulf %mul3A_11, %mul3A_16 : vector<640x1xf32>
    %mul3A_18 = vector.broadcast %mul3A_17 : vector<640x1xf32> to vector<640x20xf32>
    %mul3A_19 = arith.mulf %mul3A_18, %add3A_14 : vector<640x20xf32>
    %sin3A = math.sin %mul3A_19 : vector<640x20xf32>
    %mul3A_20 = arith.constant 0.632455527 : f32
    %mul3A_21 = vector.broadcast %mul3A_20 : f32 to vector<640x20xf32>
    %mul3A_22 = arith.mulf %mul3A_21, %sin3A : vector<640x20xf32>
    %mul3A_23 = vector.broadcast %rsqrt3A : vector<640x1xf32> to vector<640x20xf32>
    %mul3A_24 = arith.mulf %mul3A_22, %mul3A_23 : vector<640x20xf32>
    %swap3A = arith.constant 0 : index
    %swap3A_25 = arith.constant 0 : index
    %swap3A_26 = vector.load %arg5[%swap3A, %swap3A_25] : memref<640x20xf32, #tpu.memory_space<vmem>>, vector<640x20xf32>
    tpu.vector_store %arg5[%swap3A, %swap3A_25], %mul3A_24 {strides = array<i32>} : memref<640x20xf32, #tpu.memory_space<vmem>>, vector<640x20xf32>,
    %mul3A_27 = arith.constant 2.000000e-01 : f32
    %mul3A_28 = vector.broadcast %mul3A_27 : f32 to vector<640x1xf32>
    %mul3A_29 = arith.mulf %mul3A_11, %mul3A_28 : vector<640x1xf32>
    %mul3A_30 = arith.mulf %mul3A_29, %mul3A_29 : vector<640x1xf32>
    %mul3A_31 = arith.mulf %mul3A_30, %mul3A_30 : vector<640x1xf32>
    %mul3A_32 = arith.mulf %mul3A_31, %mul3A_29 : vector<640x1xf32>
    %mul3A_33 = arith.constant 2.100000e+01 : f32
    %mul3A_34 = vector.broadcast %mul3A_33 : f32 to vector<640x1xf32>
    %mul3A_35 = arith.mulf %mul3A_34, %mul3A_32 : vector<640x1xf32>
    %sub3A = arith.constant 1.000000e+00 : f32
    %sub3A_36 = vector.broadcast %sub3A : f32 to vector<640x1xf32>
    %sub3A_37 = arith.subf %sub3A_36, %mul3A_35 : vector<640x1xf32>
    %mul3A_38 = arith.constant 3.500000e+01 : f32
    %mul3A_39 = vector.broadcast %mul3A_38 : f32 to vector<640x1xf32>
    %mul3A_40 = arith.mulf %mul3A_39, %mul3A_32 : vector<640x1xf32>
    %mul3A_41 = arith.mulf %mul3A_40, %mul3A_29 : vector<640x1xf32>
    %add3A_42 = arith.addf %sub3A_37, %mul3A_41 : vector<640x1xf32>
    %mul3A_43 = arith.constant 1.500000e+01 : f32
    %mul3A_44 = vector.broadcast %mul3A_43 : f32 to vector<640x1xf32>
    %mul3A_45 = arith.mulf %mul3A_44, %mul3A_32 : vector<640x1xf32>
    %mul3A_46 = arith.mulf %mul3A_45, %mul3A_30 : vector<640x1xf32>
    %sub3A_47 = arith.subf %add3A_42, %mul3A_46 : vector<640x1xf32>
    %lt3A = arith.constant 1.000000e+00 : f32
    %lt3A_48 = vector.broadcast %lt3A : f32 to vector<640x1xf32>
    %lt3A_49 = arith.cmpf olt, %mul3A_29, %lt3A_48 : vector<640x1xf32>
    %jit3A = arith.constant 0.000000e+00 : f32
    %broadcast_in_dim3A = vector.broadcast %jit3A : f32 to vector<640x1xf32>
    %select_n3A = arith.select %lt3A_49, %sub3A_47, %broadcast_in_dim3A : vector<640x1xi1>, vector<640x1xf32>
    %swap3A_50 = arith.constant 0 : index
    %swap3A_51 = arith.constant 0 : index
    %swap3A_52 = vector.load %arg6[%swap3A_50, %swap3A_51] : memref<640x1xf32, #tpu.memory_space<vmem>>, vector<640x1xf32>
    tpu.vector_store %arg6[%swap3A_50, %swap3A_51], %select_n3A {strides = array<i32>} : memref<640x1xf32, #tpu.memory_space<vmem>>, vector<640x1xf32>,
    %mul3A_53 = arith.mulf %get3A_1, %rsqrt3A : vector<640x1xf32>
    %mul3A_54 = arith.mulf %get3A_4, %rsqrt3A : vector<640x1xf32>
    %mul3A_55 = arith.mulf %get3A_7, %rsqrt3A : vector<640x1xf32>
    %broadcast_in_dim3A_56 = arith.constant 1.000000e+00 : f32
    %broadcast_in_dim3A_57 = vector.broadcast %broadcast_in_dim3A_56 : f32 to vector<640x1xf32>
    %mul3A_58 = arith.constant 1.73205078 : f32
    %mul3A_59 = vector.broadcast %mul3A_58 : f32 to vector<640x1xf32>
    %mul3A_60 = arith.mulf %mul3A_59, %mul3A_53 : vector<640x1xf32>
    %mul3A_61 = arith.constant 1.73205078 : f32
    %mul3A_62 = vector.broadcast %mul3A_61 : f32 to vector<640x1xf32>
    %mul3A_63 = arith.mulf %mul3A_62, %mul3A_54 : vector<640x1xf32>
    %mul3A_64 = arith.constant 1.73205078 : f32
    %mul3A_65 = vector.broadcast %mul3A_64 : f32 to vector<640x1xf32>
    %mul3A_66 = arith.mulf %mul3A_65, %mul3A_55 : vector<640x1xf32>
    %mul3A_67 = arith.constant 3.87298346 : f32
    %mul3A_68 = vector.broadcast %mul3A_67 : f32 to vector<640x1xf32>
    %mul3A_69 = arith.mulf %mul3A_68, %mul3A_53 : vector<640x1xf32>
    %mul3A_70 = arith.mulf %mul3A_69, %mul3A_55 : vector<640x1xf32>
    %mul3A_71 = arith.constant 3.87298346 : f32
    %mul3A_72 = vector.broadcast %mul3A_71 : f32 to vector<640x1xf32>
    %mul3A_73 = arith.mulf %mul3A_72, %mul3A_53 : vector<640x1xf32>
    %mul3A_74 = arith.mulf %mul3A_73, %mul3A_54 : vector<640x1xf32>
    %mul3A_75 = arith.mulf %mul3A_54, %mul3A_54 : vector<640x1xf32>
    %mul3A_76 = arith.mulf %mul3A_53, %mul3A_53 : vector<640x1xf32>
    %mul3A_77 = arith.mulf %mul3A_55, %mul3A_55 : vector<640x1xf32>
    %add3A_78 = arith.addf %mul3A_76, %mul3A_77 : vector<640x1xf32>
    %mul3A_79 = arith.constant 5.000000e-01 : f32
    %mul3A_80 = vector.broadcast %mul3A_79 : f32 to vector<640x1xf32>
    %mul3A_81 = arith.mulf %mul3A_80, %add3A_78 : vector<640x1xf32>
    %sub3A_82 = arith.subf %mul3A_75, %mul3A_81 : vector<640x1xf32>
    %mul3A_83 = arith.constant 2.23606801 : f32
    %mul3A_84 = vector.broadcast %mul3A_83 : f32 to vector<640x1xf32>
    %mul3A_85 = arith.mulf %mul3A_84, %sub3A_82 : vector<640x1xf32>
    %mul3A_86 = arith.constant 3.87298346 : f32
    %mul3A_87 = vector.broadcast %mul3A_86 : f32 to vector<640x1xf32>
    %mul3A_88 = arith.mulf %mul3A_87, %mul3A_54 : vector<640x1xf32>
    %mul3A_89 = arith.mulf %mul3A_88, %mul3A_55 : vector<640x1xf32>
    %mul3A_90 = arith.mulf %mul3A_55, %mul3A_55 : vector<640x1xf32>
    %mul3A_91 = arith.mulf %mul3A_53, %mul3A_53 : vector<640x1xf32>
    %sub3A_92 = arith.subf %mul3A_90, %mul3A_91 : vector<640x1xf32>
    %mul3A_93 = arith.constant 1.93649173 : f32
    %mul3A_94 = vector.broadcast %mul3A_93 : f32 to vector<640x1xf32>
    %mul3A_95 = arith.mulf %mul3A_94, %sub3A_92 : vector<640x1xf32>
    %iota3A_96 = tpu.iota {dimensions = array<i32: 1>} : vector<640x16xi32>
    %broadcast_in_dim3A_97 = arith.constant 0.000000e+00 : f32
    %broadcast_in_dim3A_98 = vector.broadcast %broadcast_in_dim3A_97 : f32 to vector<640x16xf32>
    %eq3A = arith.constant 0 : i32
    %eq3A_99 = vector.broadcast %eq3A : i32 to vector<640x16xi32>
    %eq3A_100 = arith.cmpi eq, %iota3A_96, %eq3A_99 : vector<640x16xi32>
    %broadcast_in_dim3A_101 = vector.shape_cast %broadcast_in_dim3A_57 : vector<640x1xf32> to vector<640x1xf32>
    %broadcast_in_dim3A_102 = vector.broadcast %broadcast_in_dim3A_101 : vector<640x1xf32> to vector<640x16xf32>
    %select_n3A_103 = arith.select %eq3A_100, %broadcast_in_dim3A_102, %broadcast_in_dim3A_98 : vector<640x16xi1>, vector<640x16xf32>
    %eq3A_104 = arith.constant 1 : i32
    %eq3A_105 = vector.broadcast %eq3A_104 : i32 to vector<640x16xi32>
    %eq3A_106 = arith.cmpi eq, %iota3A_96, %eq3A_105 : vector<640x16xi32>
    %broadcast_in_dim3A_107 = vector.shape_cast %mul3A_60 : vector<640x1xf32> to vector<640x1xf32>
    %broadcast_in_dim3A_108 = vector.broadcast %broadcast_in_dim3A_107 : vector<640x1xf32> to vector<640x16xf32>
    %select_n3A_109 = arith.select %eq3A_106, %broadcast_in_dim3A_108, %select_n3A_103 : vector<640x16xi1>, vector<640x16xf32>
    %eq3A_110 = arith.constant 2 : i32
    %eq3A_111 = vector.broadcast %eq3A_110 : i32 to vector<640x16xi32>
    %eq3A_112 = arith.cmpi eq, %iota3A_96, %eq3A_111 : vector<640x16xi32>
    %broadcast_in_dim3A_113 = vector.shape_cast %mul3A_63 : vector<640x1xf32> to vector<640x1xf32>
    %broadcast_in_dim3A_114 = vector.broadcast %broadcast_in_dim3A_113 : vector<640x1xf32> to vector<640x16xf32>
    %select_n3A_115 = arith.select %eq3A_112, %broadcast_in_dim3A_114, %select_n3A_109 : vector<640x16xi1>, vector<640x16xf32>
    %eq3A_116 = arith.constant 3 : i32
    %eq3A_117 = vector.broadcast %eq3A_116 : i32 to vector<640x16xi32>
    %eq3A_118 = arith.cmpi eq, %iota3A_96, %eq3A_117 : vector<640x16xi32>
    %broadcast_in_dim3A_119 = vector.shape_cast %mul3A_66 : vector<640x1xf32> to vector<640x1xf32>
    %broadcast_in_dim3A_120 = vector.broadcast %broadcast_in_dim3A_119 : vector<640x1xf32> to vector<640x16xf32>
    %select_n3A_121 = arith.select %eq3A_118, %broadcast_in_dim3A_120, %select_n3A_115 : vector<640x16xi1>, vector<640x16xf32>
    %eq3A_122 = arith.constant 4 : i32
    %eq3A_123 = vector.broadcast %eq3A_122 : i32 to vector<640x16xi32>
    %eq3A_124 = arith.cmpi eq, %iota3A_96, %eq3A_123 : vector<640x16xi32>
    %broadcast_in_dim3A_125 = vector.shape_cast %mul3A_70 : vector<640x1xf32> to vector<640x1xf32>
    %broadcast_in_dim3A_126 = vector.broadcast %broadcast_in_dim3A_125 : vector<640x1xf32> to vector<640x16xf32>
    %select_n3A_127 = arith.select %eq3A_124, %broadcast_in_dim3A_126, %select_n3A_121 : vector<640x16xi1>, vector<640x16xf32>
    %eq3A_128 = arith.constant 5 : i32
    %eq3A_129 = vector.broadcast %eq3A_128 : i32 to vector<640x16xi32>
    %eq3A_130 = arith.cmpi eq, %iota3A_96, %eq3A_129 : vector<640x16xi32>
    %broadcast_in_dim3A_131 = vector.shape_cast %mul3A_74 : vector<640x1xf32> to vector<640x1xf32>
    %broadcast_in_dim3A_132 = vector.broadcast %broadcast_in_dim3A_131 : vector<640x1xf32> to vector<640x16xf32>
    %select_n3A_133 = arith.select %eq3A_130, %broadcast_in_dim3A_132, %select_n3A_127 : vector<640x16xi1>, vector<640x16xf32>
    %eq3A_134 = arith.constant 6 : i32
    %eq3A_135 = vector.broadcast %eq3A_134 : i32 to vector<640x16xi32>
    %eq3A_136 = arith.cmpi eq, %iota3A_96, %eq3A_135 : vector<640x16xi32>
    %broadcast_in_dim3A_137 = vector.shape_cast %mul3A_85 : vector<640x1xf32> to vector<640x1xf32>
    %broadcast_in_dim3A_138 = vector.broadcast %broadcast_in_dim3A_137 : vector<640x1xf32> to vector<640x16xf32>
    %select_n3A_139 = arith.select %eq3A_136, %broadcast_in_dim3A_138, %select_n3A_133 : vector<640x16xi1>, vector<640x16xf32>
    %eq3A_140 = arith.constant 7 : i32
    %eq3A_141 = vector.broadcast %eq3A_140 : i32 to vector<640x16xi32>
    %eq3A_142 = arith.cmpi eq, %iota3A_96, %eq3A_141 : vector<640x16xi32>
    %broadcast_in_dim3A_143 = vector.shape_cast %mul3A_89 : vector<640x1xf32> to vector<640x1xf32>
    %broadcast_in_dim3A_144 = vector.broadcast %broadcast_in_dim3A_143 : vector<640x1xf32> to vector<640x16xf32>
    %select_n3A_145 = arith.select %eq3A_142, %broadcast_in_dim3A_144, %select_n3A_139 : vector<640x16xi1>, vector<640x16xf32>
    %eq3A_146 = arith.constant 8 : i32
    %eq3A_147 = vector.broadcast %eq3A_146 : i32 to vector<640x16xi32>
    %eq3A_148 = arith.cmpi eq, %iota3A_96, %eq3A_147 : vector<640x16xi32>
    %broadcast_in_dim3A_149 = vector.shape_cast %mul3A_95 : vector<640x1xf32> to vector<640x1xf32>
    %broadcast_in_dim3A_150 = vector.broadcast %broadcast_in_dim3A_149 : vector<640x1xf32> to vector<640x16xf32>
    %select_n3A_151 = arith.select %eq3A_148, %broadcast_in_dim3A_150, %select_n3A_145 : vector<640x16xi1>, vector<640x16xf32>
    %get3A_152 = arith.constant 0 : index
    %get3A_153 = arith.constant 0 : index
    %get3A_154 = vector.load %arg4[%get3A_152, %get3A_153] : memref<16x480xf32, #tpu.memory_space<vmem>>, vector<16x480xf32>
    %dot_general3A = arith.constant dense<0.000000e+00> : vector<640x480xf32>
    %dot_general3A_155 = tpu.matmul %select_n3A_151, %get3A_154, %dot_general3A {dimension_numbers = #tpu.dot_dimension_numbers<[1], [0], [0], [1], [0, 0, 1, 1], [], []>, transpose_lhs_hint = false} : vector<640x16xf32>, vector<16x480xf32>, vector<640x480xf32> -> vector<640x480xf32>
    %swap3A_156 = arith.constant 0 : index
    %swap3A_157 = arith.constant 0 : index
    %swap3A_158 = vector.load %arg7[%swap3A_156, %swap3A_157] : memref<640x480xf32, #tpu.memory_space<vmem>>, vector<640x480xf32>
    tpu.vector_store %arg7[%swap3A_156, %swap3A_157], %dot_general3A_155 {strides = array<i32>} : memref<640x480xf32, #tpu.memory_space<vmem>>, vector<640x480xf32>,
    return
  }
  func.func @transform_0(%arg0: i32) -> (i32, i32) {
    %c0_i32 = arith.constant 0 : i32
    %c0_i32_0 = arith.constant 0 : i32
    return %arg0, %c0_i32 : i32, i32
  }
  func.func @transform_1(%arg0: i32) -> (i32, i32) {
    %c0_i32 = arith.constant 0 : i32
    %c0_i32_0 = arith.constant 0 : i32
    return %arg0, %c0_i32 : i32, i32
  }
  func.func @transform_2(%arg0: i32) -> (i32, i32) {
    %c0_i32 = arith.constant 0 : i32
    %c0_i32_0 = arith.constant 0 : i32
    return %arg0, %c0_i32 : i32, i32
  }
  func.func @transform_3(%arg0: i32) -> (i32, i32) {
    %c0_i32 = arith.constant 0 : i32
    %c0_i32_0 = arith.constant 0 : i32
    %c0_i32_1 = arith.constant 0 : i32
    return %c0_i32, %c0_i32_0 : i32, i32
  }
  func.func @transform_4(%arg0: i32) -> (i32, i32) {
    %c0_i32 = arith.constant 0 : i32
    %c0_i32_0 = arith.constant 0 : i32
    return %arg0, %c0_i32 : i32, i32
  }
  func.func @transform_5(%arg0: i32) -> (i32, i32) {
    %c0_i32 = arith.constant 0 : i32
    %c0_i32_0 = arith.constant 0 : i32
    return %arg0, %c0_i32 : i32, i32
  }
  func.func @transform_6(%arg0: i32) -> (i32, i32) {
    %c0_i32 = arith.constant 0 : i32
    %c0_i32_0 = arith.constant 0 : i32
    return %arg0, %c0_i32 : i32, i32
  }
}

</mosaic_0001>

<sc_bundles>
// kernel: kernel.5.cloned.1.call-start
scs
__scs_entry_jumppad:
0x0: {  	(pc) =	sbr.rel $0x88, $3  }
0x1: {  	(tag) =	ssettag $0x0;
	lr =	simm.s32 $0x1  }
0x2: {  	[smem:$0x3F9B] =	sst lr;
	_ =	strace $0xD0000000  }
0x3: {  	_ = 	snop  }
0x4: {  	_ = 	snop  }
0x5: {  	_ = 	snop  }
0x6: {  	_ = 	snop  }
0x7: {  	_ = 	snop  }
__scs_overlays_trampoline_lowered:
0x8: {  	[smem:$0x3FAA] =	sst s0  }
0x9: {  	[smem:$0x3FAB] =	sst s1  }
0xa: {  	[smem:$0x3FAC] =	sst s2  }
0xb: {  	[smem:$0x3FAD] =	sst s3  }
0xc: {  	[smem:$0x3FAE] =	sst s4  }
0xd: {  	[smem:$0x3FAF] =	sst s5  }
0xe: {  	[smem:$0x3FB0] =	sst s6  }
0xf: {  	[smem:$0x3FB1] =	sst s7  }
0x10: {  	[smem:$0x3FB2] =	sst s8  }
0x11: {  	[smem:$0x3FB3] =	sst s9;
	s0 =	simm.s32 @!p0 $0x0  }
0x12: {  	s1 =	sld [smem:$0x3F99];
	s0 =	simm.s32 @p0 $0x1  }
0x13: {  	[smem:$0x3FB4] =	sst s0;
	s0 =	simm.s32 @!p1 $0x0  }
0x14: {  	s2 =	sld [smem:$0x3F98];
	s0 =	simm.s32 @p1 $0x1  }
0x15: {  	[smem:$0x3FB5] =	sst s0;
	s0 =	simm.s32 @!p2 $0x0  }
0x16: {  	s3 =	sld [smem:$0x3FDB];
	s0 =	simm.s32 @p2 $0x1  }
0x17: {  	s4 =	simm.s32 $0x1BF5;
	[smem:$0x3FB7] =	sst s0  }
0x18: {  	s0 =	sld [smem:$0x3F9A];
	_ =	swait.ge [sflag:s4], $0x0  }
0x19: {  	s7 =	sld [smem:$0x3F9B]  }
0x1a: {  	s8 =	sadd.s32 $0xFFFFE003, lr  }
0x1b: {  	s9 =	sadd.s32 $0xFFFFFEF7, lr;
	s5 =	simm.s32 $0xFFFFFFFF;
	p2 =	slt.u32 s8, $0xFFFFF086  }
0x1c: {  	p1 =	slt.u32 s9, $0xF7A;
	s5 =	simm.s32 @!p2 $0x0  }
0x1d: {  	s5 =	simm.s32 @p1 $0x1;
	p0 =	seq.s32 s7, s2  }
0x1e: {  	s7 =	smul.u32 @!p0 $0xF7A, s2;
	p2 =	seq.s32 @!p0 s5, $0x0  }
0x1f: {  	s9 =	smul.u32 $0xF7A, s1;
	s8 =	simm.s32 @!p0 $0x1BF5;
	p2 =	por !p2, p0  }
0x20: {  	[sflag:s8] =	ssyncset.s32 @!p0 $0xFFFFF086;
	s6 =	sadd.s32 @!p0 s3, s7;
	s7 =	simm.s32 @!p0 $0x108  }
0x21: {  	s3 =	sadd.s32 s3, s9;
	s6 =	sadd.s32 @!p0 $0x88, s6;
	s7 =	simm.s32 @p2 $0x1082  }
0x22: {  	[simem:s7], [sflag:s8] =	dma.local @!p0 [hbm:s6], $0xF7A  }
0x23: {  	s9 =	sor.u32 $0xD0000000, s2;
	s6 =	simm.s32 $0x108;
	_ =	swait.ge @!p0 [sflag:s8], $0x0  }
0x24: {  	s3 =	sadd.s32 $0x88, s3;
	s6 =	simm.s32 @!p1 $0x1082;
	[sflag:s4] =	ssyncset.s32 $0xFFFFF086  }
0x25: {  	[simem:s6], [sflag:s4] =	dma.local [hbm:s3], $0xF7A  }
0x26: {  	[smem:$0x3F9B] =	sst s1;
	(tag) =	ssettag s2;
	_ =	strace s9  }
0x27: {  	s1 =	sld [smem:$0x3FAB]  }
0x28: {  	s2 =	sld [smem:$0x3FAC]  }
0x29: {  	s4 =	sld [smem:$0x3FAE]  }
0x2a: {  	p0 =	seq.s32 s5, $0x0;
	s5 =	sld [smem:$0x3FAF]  }
0x2b: {  	s6 =	sld [smem:$0x3FB0]  }
0x2c: {  	s7 =	sld [smem:$0x3FB1]  }
0x2d: {  	s3 =	simm.s32 $0x108;
	s8 =	sld [smem:$0x3FB2]  }
0x2e: {  	s3 =	simm.s32 @!p0 $0x1082;
	s9 =	sld [smem:$0x3FB3]  }
0x2f: {  	lr =	sadd.s32 s0, s3;
	s0 =	sld [smem:$0x3FAA]  }
0x30: {  	s3 =	sld [smem:$0x3FAD]  }
0x31: {  	[smem:$0x3FB6] =	sst s10  }
0x32: {  	s10 =	sld [smem:$0x3FB4];
	_ =	sdelay $0x3  }
0x33: {  	p0 =	seq.s32 s10, $0x1;
	s10 =	sld [smem:$0x3FB6];
	_ =	sdelay $0x3  }
0x34: {  	[smem:$0x3FB6] =	sst s10  }
0x35: {  	s10 =	sld [smem:$0x3FB5];
	_ =	sdelay $0x3  }
0x36: {  	p1 =	seq.s32 s10, $0x1;
	s10 =	sld [smem:$0x3FB6];
	_ =	sdelay $0x3  }
0x37: {  	[smem:$0x3FB6] =	sst s10  }
0x38: {  	s10 =	sld [smem:$0x3FB7]  }
0x39: {  	_ = 	snop;
	(pc) =	sbr.ind lr, $3  }
0x3a: {  	_ = 	snop  }
0x3b: {  	_ = 	snop  }
0x3c: {  	p2 =	seq.s32 s10, $0x1;
	s10 =	sld [smem:$0x3FB6]  }
0x3d: {  	_ =	shalt  }
0x3e: {  	_ =	shalt  }
0x3f: {  	_ =	shalt  }
0x40: {  	_ =	shalt  }
0x41: {  	_ =	shalt  }
0x42: {  	_ =	shalt  }
0x43: {  	_ =	shalt  }
0x44: {  	_ =	shalt  }
0x45: {  	_ =	shalt  }
0x46: {  	_ =	shalt  }
0x47: {  	_ =	shalt  }
0x48: {  	_ =	shalt  }
0x49: {  	_ =	shalt  }
0x4a: {  	_ =	shalt  }
0x4b: {  	_ =	shalt  }
0x4c: {  	_ =	shalt  }
0x4d: {  	_ =	shalt  }
0x4e: {  	_ =	shalt  }
0x4f: {  	_ =	shalt  }
0x50: {  	_ =	shalt  }
0x51: {  	_ =	shalt  }
0x52: {  	_ =	shalt  }
0x53: {  	_ =	shalt  }
0x54: {  	_ =	shalt  }
0x55: {  	_ =	shalt  }
0x56: {  	_ =	shalt  }
0x57: {  	_ =	shalt  }
0x58: {  	_ =	shalt  }
0x59: {  	_ =	shalt  }
0x5a: {  	_ =	shalt  }
0x5b: {  	_ =	shalt  }
0x5c: {  	_ =	shalt  }
0x5d: {  	_ =	shalt  }
0x5e: {  	_ =	shalt  }
0x5f: {  	_ =	shalt  }
0x60: {  	_ =	shalt  }
0x61: {  	_ =	shalt  }
0x62: {  	_ =	shalt  }
0x63: {  	_ =	shalt  }
0x64: {  	_ =	shalt  }
0x65: {  	_ =	shalt  }
0x66: {  	_ =	shalt  }
0x67: {  	_ =	shalt  }
0x68: {  	_ =	shalt  }
0x69: {  	_ =	shalt  }
0x6a: {  	_ =	shalt  }
0x6b: {  	_ =	shalt  }
0x6c: {  	_ =	shalt  }
0x6d: {  	_ =	shalt  }
0x6e: {  	_ =	shalt  }
0x6f: {  	_ =	shalt  }
0x70: {  	_ =	shalt  }
0x71: {  	_ =	shalt  }
0x72: {  	_ =	shalt  }
0x73: {  	_ =	shalt  }
0x74: {  	_ =	shalt  }
0x75: {  	_ =	shalt  }
0x76: {  	_ =	shalt  }
0x77: {  	_ =	shalt  }
0x78: {  	_ =	shalt  }
0x79: {  	_ =	shalt  }
0x7a: {  	_ =	shalt  }
0x7b: {  	_ =	shalt  }
0x7c: {  	_ =	shalt  }
0x7d: {  	_ =	shalt  }
0x7e: {  	_ =	shalt  }
0x7f: {  	_ =	shalt  }
0x80: {  	_ =	shalt  }
0x81: {  	_ =	shalt  }
0x82: {  	_ =	shalt  }
0x83: {  	_ =	shalt  }
0x84: {  	_ =	shalt  }
0x85: {  	_ =	shalt  }
0x86: {  	_ =	shalt  }
0x87: {  	_ =	shalt  }
.Lfunc_end0:
.L_simem_size_0:
called_computation_lowered:
.L_overlay_start_0:
0x88: {  	s2 =	sld [smem:$0x3FD9]  }
0x89: {  	s3 =	sld [smem:$0x3FFE];
	_ =	sdelay $0x1  }
0x8a: {  	s1 =	srdreg.scid  }
0x8b: {  	s0 =	sand.u32 $0x1, s1  }
0x8c: {  	s14 =	sshll.u32 s0, $0xA;
	s2 =	sadd.s32 s3, s2  }
0x8d: {  	s2 =	sadd.s32 s2, s14  }
0x8e: {  	[smem:$0x3FC2] =	sst s2  }
0x8f: {  	_ = 	snop  }
0x90: {  	s2 =	sld [smem:$0x3FD0];
	_ =	sdelay $0x2  }
0x91: {  	s15 =	simm.s32 $0xA;
	s4 =	simm.s32 $0x10  }
0x92: {  	[smem:s4], [sflag:s15] =	dma.local [hbm:s2], $0x1  }
0x93: {  	_ =	swait.eq [sflag:s15], $0x1  }
0x94: {  	s16 =	sld [smem:$0x10]  }
0x95: {  	s17 =	sld [smem:$0x11];
	[sflag:s15] =	ssyncset.done $0x0  }
0x96: {  	s5 =	sld [smem:$0x12];
	[sflag:s15] =	ssyncadd.s32 $0xFFFFFFFF  }
0x97: {  	s18 =	sld [smem:$0x13];
	(tm) =	ssettm $0x1  }
0x98: {  	s6 =	sld [smem:$0x3FFB];
	_ =	sdelay $0x3  }
0x99: {  	_ =	strace s6  }
0x9a: {  	s6 =	sld [smem:$0x3FFC];
	_ =	sdelay $0x3  }
0x9b: {  	_ =	strace s6  }
0x9c: {  	s6 =	sld [smem:$0x3FFD];
	_ =	sdelay $0x3  }
0x9d: {  	_ =	strace s6  }
0x9e: {  	_ =	strace $0x8FFFFFFF  }
0x9f: {  	s19 =	sld [smem:$0x3FDB];
	_ =	sdelay $0x1  }
0xa0: {  	s7 =	simm.s32 $_scs_section_size  }
0xa1: {  	s8 =	simm.s32 $_size__tile_overlayer_lowered;
	s9 =	simm.s32 $_tile_overlayer_lowered  }
0xa2: {  	s22 =	simm.s32 $0x1BFF;
	s21 =	sshll.u32 s9, $0x1;
	s6 =	sadd.s32 s7, s19  }
0xa3: {  	s10 =	simm.s32 $0x0;
	s20 =	sshll.u32 s8, $0x1;
	s8 =	sadd.s32 s21, s6  }
0xa4: {  	[timem:s10], [sflag:s22] =	dma.local [hbm:s8], s20  }
0xa5: {  	_ =	swait.ge [sflag:s22], s20  }
0xa6: {  	s7 =	ssub.s32 $0x0, s20;
	[sflag:s22] =	ssyncset.done $0x0  }
0xa7: {  	[sflag:s22] =	ssyncadd.s32 s7;
	_ =	sdelay $0x1  }
0xa8: {  	s23 =	simm.s32 $0x1B8B  }
0xa9: {  	_ =	swait.ge [sflag:s23], $0x1  }
0xaa: {  	[sflag:s23] =	ssyncset.done $0x0  }
0xab: {  	s25 =	simm.s32 $0x1B8E;
	s24 =	sld [smem:$0x3FFE];
	[sflag:s23] =	ssyncadd.s32 $0xFFFFFFFF  }
0xac: {  	s26 =	simm.s32 $execute0_lowered;
	[smem:$0x3FD2] =	sst s25  }
0xad: {  	s8 =	sshll.u32 s26, $0x1;
	_ =	strace $0x80000046;
	[dreg:$0x1] =	wrdreg $0xFFFFFFFF  }
0xae: {  	s28 =	simm.s32 $_size_execute0_lowered;
	s6 =	sadd.s32 s6, s8;
	[dreg:$0x0] =	wrdreg $0x0  }
0xaf: {  	s8 =	sshll.u32 s28, $0x1;
	[dreg:$0x2] =	wrdreg s6  }
0xb0: {  	[dreg:$0x3] =	wrdreg s8  }
0xb1: {  	[dreg:$0x4] =	wrdreg $0xC0  }
0xb2: {  	_ =	task [dreg:s10], $0x5FFFF  }
0xb3: {  	[dreg:$0x1] =	wrdreg $0xFFFFFFFF  }
0xb4: {  	[dreg:$0x0] =	wrdreg $0x60  }
0xb5: {  	[dreg:$0x2] =	wrdreg s5  }
0xb6: {  	[dreg:$0x3] =	wrdreg s24  }
0xb7: {  	[dreg:$0x4] =	wrdreg s16  }
0xb8: {  	[dreg:$0x5] =	wrdreg s18  }
0xb9: {  	[dreg:$0x6] =	wrdreg s17  }
0xba: {  	[dreg:$0x7] =	wrdreg $0x9  }
0xbb: {  	_ =	task.clear_ibuf [dreg:s10], $0x8FFFF;
	_ =	strace $0x90000046  }
0xbc: {  	s29 =	simm.s32 $0x9;
	_ =	strace $0x80000048  }
0xbd: {  	_ =	swait.ge [sflag:s29], $0x1  }
0xbe: {  	[sflag:s29] =	ssyncadd.s32 $0xFFFFFFFF  }
0xbf: {  	_ =	strace $0x90000048  }
0xc0: {  	_ =	sfence  }
0xc1: {  	s30 =	sld [smem:$0x0];
	_ =	sdelay $0x2  }
0xc2: {  	s31 =	sshll.u32 s1, $0xD;
	s1 =	sshrl.u32 s1, $0x2  }
0xc3: {  	s3 =	sand.u32 $0x4000, s31;
	s1 =	sadd.s32 s1, s30  }
0xc4: {  	s0 =	sor.u32 s3, s0;
	s1 =	sshll.u32 s1, $0x11  }
0xc5: {  	s0 =	sor.u32 s1, s0  }
0xc6: {  	s0 =	sadd.s32 $0x8F2B, s0  }
0xc7: {  	[sflag:s0] =	ssyncadd.remote.s32 $0x1  }
0xc8: {  	_ =	sfence.sel $0xFFFF  }
0xc9: {  	[dreg:$0x0] =	wrdreg $0xFFFFFFFF;
	(pc) =	sbr.abs _section_cstart, $3  }
0xca: {  	[dreg:$0x1] =	wrdreg $0xFFFFFFFF  }
0xcb: {  	_ =	task.clear_ibuf [dreg:s10], $0x2FFFF;
	_ =	strace $0x9FFFFFFF  }
0xcc: {  	(tm) =	ssettm $0x7FFFFFFF  }
0xcd: {  	_ =	shalt  }
tec
execute0_lowered:
.L_overlay_start_1:
0x0: {  	(tag) =	ssettag $0x1  }
0x1: {  	s0 =	rddreg [dreg:$0x0]  }
0x2: {  	s2 =	rddreg [dreg:$0x1]  }
0x3: {  	s9 =	rddreg [dreg:$0x2]  }
0x4: {  	s10 =	rddreg [dreg:$0x3];
	s3 =	srdreg.scid  }
0x5: {  	s1 =	stileid.u32;
	s8 =	rddreg [dreg:$0x4];
	s4 =	simm.s32 $0x0  }
0x6: {  	s17 =	simm.s32 $0x180;
	s18 =	simm.s32 $0x1;
	s19 =	simm.s32 $0xA180  }
0x7: {  	s20 =	simm.s32 $0xC980;
	s21 =	simm.s32 $0xF180;
	s22 =	simm.s32 $0x11980  }
0x8: {  	s23 =	simm.s32 $0x12D80;
	s5 =	sand.u32 $0x1, s3;
	s6 =	sshll.u32 s1, $0x1  }
0x9: {  	s24 =	simm.s32 $0x14180;
	s25 =	simm.s32 $0x15580;
	s6 =	sor.u32 s5, s6  }
0xa: {  	s26 =	simm.s32 $0x16980;
	s28 =	simm.s32 $0x0;
	s7 =	smul.u32 $0x28, s6  }
0xb: {  	[smem:$0x7FF] =	sst s4;
	s12 =	ssub.s32 $0x2, s5;
	s11 =	smul.u32 $0x272, s6  }
0xc: {  	_ =	strace $0x80000047;
	s13 =	sshrl.u32 s12, $0x1;
	s14 =	smul.u32 $0x1400, s6  }
0xd: {  	s5 =	sadd.s32 $0xC00, s2;
	s6 =	sadd.s32 $0x600, s2;
	s16 =	ssub.s32 s12, s13  }
0xe: {  	s7 =	sadd.s32 s7, s2;
	s15 =	sadd.s32 s11, s2;
	s8 =	sadd.s32 s8, s14  }
0xf: {  	s9 =	sadd.s32 s9, s11;
	s10 =	sadd.s32 s10, s11;
	s14 =	smax.u32 s16, $0x1  }
0x10: {  	s16 =	simm.s32 $0x140;
	s7 =	sadd.s32 $0x1200, s7;
	s11 =	sadd.s32 $0x1800, s15  }
0x11: {  	s12 =	sadd.s32 $0x6800, s15;
	s13 =	sadd.s32 $0xB800, s15;
	s15 =	simm.s32 $0x2  }
.LBB2_1:
0x12: {  	[tilespmem:s4], [sflag:$0x2] =	stream.linear.gather [hbm4b:s7+s4], $0x140, $0x38;
	[tilespmem:$0x17D80] =	vst v63  }
0x13: {  	_ =	swait.ge [sflag:s15], $0x140  }
0x14: {  	[sflag:s15] =	ssyncset.done $0x0  }
0x15: {  	[sflag:s15] =	ssyncadd.s32 $0xFFFFFEC0  }
0x16: {  	[tilespmem:s17], [sflag:$0x1] =	stream.indirect.gather [hbm4b:s0+s16], $0x80, s4, s16, $0xb8;
	[tilespmem:$0x17D80] =	vst v63  }
0x17: {  	_ =	swait.ge [sflag:s18], $0xA000  }
0x18: {  	[sflag:s18] =	ssyncset.done $0x0  }
0x19: {  	[sflag:s18] =	ssyncadd.s32 $0xFFFF6000  }
0x1a: {  	[hbm4b:s8+s4] =	stream.linear.scatter [tilespmem:s17], [sflag:$0x2], $0xA000, $0x38;
	[tilespmem:$0x17D80] =	vst v63  }
0x1b: {  	_ =	swait.ge [sflag:s15], $0xA000  }
0x1c: {  	[sflag:s15] =	ssyncset.done $0x0  }
0x1d: {  	[sflag:s15] =	ssyncadd.s32 $0xFFFF6000  }
0x1e: {  	[tilespmem:s19], [sflag:$0x2] =	stream.linear.gather [hbm4b:s5+s4], $0x2800, $0x38;
	[tilespmem:$0x17D80] =	vst v63  }
0x1f: {  	_ =	swait.ge [sflag:s15], $0x2800  }
0x20: {  	[sflag:s15] =	ssyncset.done $0x0  }
0x21: {  	[sflag:s15] =	ssyncadd.s32 $0xFFFFD800  }
0x22: {  	[tilespmem:s20], [sflag:$0x2] =	stream.linear.gather [hbm4b:s6+s4], $0x2800, $0x38;
	[tilespmem:$0x17D80] =	vst v63  }
0x23: {  	_ =	swait.ge [sflag:s15], $0x2800  }
0x24: {  	[sflag:s15] =	ssyncset.done $0x0  }
0x25: {  	[sflag:s15] =	ssyncadd.s32 $0xFFFFD800  }
0x26: {  	[tilespmem:s21], [sflag:$0x2] =	stream.linear.gather [hbm4b:s2+s4], $0x2800, $0x38;
	[tilespmem:$0x17D80] =	vst v63  }
0x27: {  	_ =	swait.ge [sflag:s15], $0x2800  }
0x28: {  	[sflag:s15] =	ssyncset.done $0x0  }
0x29: {  	[sflag:s15] =	ssyncadd.s32 $0xFFFFD800  }
0x2a: {  	[tilespmem:s22], [sflag:$0x2] =	stream.linear.gather [hbm4b:s9+s4], $0x1390, $0x38;
	[tilespmem:$0x17D80] =	vst v63  }
0x2b: {  	_ =	swait.ge [sflag:s15], $0x1390  }
0x2c: {  	[sflag:s15] =	ssyncset.done $0x0  }
0x2d: {  	[sflag:s15] =	ssyncadd.s32 $0xFFFFEC70  }
0x2e: {  	[tilespmem:s23], [sflag:$0x2] =	stream.linear.gather [hbm4b:s10+s4], $0x1390, $0x38;
	[tilespmem:$0x17D80] =	vst v63  }
0x2f: {  	_ =	swait.ge [sflag:s15], $0x1390  }
0x30: {  	[sflag:s15] =	ssyncset.done $0x0  }
0x31: {  	s29 =	simm.s32 $0x0;
	[sflag:s15] =	ssyncadd.s32 $0xFFFFEC70  }
0x32: {  	v0 =	vld [tilespmem:s29+$0x11980]  }
0x33: {  	v1 =	vld [tilespmem:s29+$0x12D80];
	_ =	sdelay $0x6  }
0x34: {  	v2 =	vld.idx.msk [tilespmem:v0+s19+$0x0], $0xffff  }
0x35: {  	v3 =	vld.idx.msk [tilespmem:v1+s19+$0x0], $0xffff;
	_ =	sdelay $0x4  }
0x36: {  	v2 =	vsub.f32 v2, v3;
	_ =	sdelay $0x1  }
0x37: {  	[tilespmem:s29+$0x14180] =	vst v2  }
0x38: {  	v2 =	vld.idx.msk [tilespmem:v0+s20+$0x0], $0xffff  }
0x39: {  	v3 =	vld.idx.msk [tilespmem:v1+s20+$0x0], $0xffff;
	_ =	sdelay $0x4  }
0x3a: {  	v2 =	vsub.f32 v2, v3;
	_ =	sdelay $0x1  }
0x3b: {  	[tilespmem:s29+$0x15580] =	vst v2  }
0x3c: {  	v2 =	vld.idx.msk [tilespmem:v0+s21+$0x0], $0xffff  }
0x3d: {  	s31 =	simm.s32 $0x10;
	v3 =	vld.idx.msk [tilespmem:v1+s21+$0x0], $0xffff  }
0x3e: {  	v0 =	vld [tilespmem:s31+$0x11980]  }
0x3f: {  	s30 =	simm.s32 $0x80;
	v1 =	vld [tilespmem:s31+$0x12D80]  }
.LBB2_2:
0x40: {  	_ =	sdelay $0x1  }
0x41: {  	p0 =	sne.s32 s30, $0x4E00;
	s3 =	smov.u32 s30;
	s30 =	sadd.s32 $0x40, s30  }
0x42: {  	v2 =	vsub.f32 v2, v3;
	_ =	sdelay $0x1  }
0x43: {  	[tilespmem:s29+$0x16980] =	vst v2;
	s29 =	smov.u32 s31  }
0x44: {  	v2 =	vld.idx.msk [tilespmem:v0+s19+$0x0], $0xffff  }
0x45: {  	v3 =	vld.idx.msk [tilespmem:v1+s19+$0x0], $0xffff;
	_ =	sdelay $0x5  }
0x46: {  	v2 =	vsub.f32 v2, v3;
	_ =	sdelay $0x1  }
0x47: {  	[tilespmem:s29+$0x14180] =	vst v2  }
0x48: {  	v2 =	vld.idx.msk [tilespmem:v0+s20+$0x0], $0xffff  }
0x49: {  	v3 =	vld.idx.msk [tilespmem:v1+s20+$0x0], $0xffff;
	_ =	sdelay $0x5  }
0x4a: {  	v2 =	vsub.f32 v2, v3;
	_ =	sdelay $0x1  }
.Ltmp0:
0x4b: {  	[tilespmem:s29+$0x15580] =	vst v2;
	(pc) =	sbr.rel @p0 .LBB2_2-.Ltmp0, $4  }
0x4c: {  	v2 =	vld.idx.msk [tilespmem:v0+s21+$0x0], $0xffff  }
0x4d: {  	s31 =	sshra.s32 s3, $0x2;
	v3 =	vld.idx.msk [tilespmem:v1+s21+$0x0], $0xffff  }
0x4e: {  	v0 =	vld [tilespmem:s31+$0x11980]  }
0x4f: {  	v1 =	vld [tilespmem:s31+$0x12D80]  }
0x50: {  	_ =	sdelay $0x3  }
0x51: {  	v2 =	vsub.f32 v2, v3;
	_ =	sdelay $0x1  }
0x52: {  	[tilespmem:s29+$0x16980] =	vst v2  }
0x53: {  	v2 =	vld.idx.msk [tilespmem:v0+s19+$0x0], $0xffff  }
0x54: {  	v60 =	vld.idx.msk [tilespmem:v1+s19+$0x0], $0xffff;
	_ =	sdelay $0x4  }
0x55: {  	v2 =	vsub.f32 v2, v60;
	_ =	sdelay $0x1  }
0x56: {  	[tilespmem:s31+$0x14180] =	vst v2  }
0x57: {  	v2 =	vld.idx.msk [tilespmem:v0+s20+$0x0], $0xffff  }
0x58: {  	v61 =	vld.idx.msk [tilespmem:v1+s20+$0x0], $0xffff;
	_ =	sdelay $0x4  }
0x59: {  	v2 =	vsub.f32 v2, v61;
	_ =	sdelay $0x1  }
0x5a: {  	[tilespmem:s31+$0x15580] =	vst v2  }
0x5b: {  	v62 =	vld.idx.msk [tilespmem:v0+s21+$0x0], $0xffff  }
0x5c: {  	v63 =	vld.idx.msk [tilespmem:v1+s21+$0x0], $0xffff;
	_ =	sdelay $0x4  }
0x5d: {  	v0 =	vsub.f32 v62, v63;
	_ =	sdelay $0x1  }
0x5e: {  	[tilespmem:s31+$0x16980] =	vst v0  }
0x5f: {  	[hbm4b:s11+s4] =	stream.linear.scatter [tilespmem:s24], [sflag:$0x2], $0x1390, $0x38;
	[tilespmem:$0x17D80] =	vst v63  }
0x60: {  	_ =	swait.ge [sflag:s15], $0x1390  }
0x61: {  	[sflag:s15] =	ssyncset.done $0x0  }
0x62: {  	[sflag:s15] =	ssyncadd.s32 $0xFFFFEC70  }
0x63: {  	[hbm4b:s12+s4] =	stream.linear.scatter [tilespmem:s25], [sflag:$0x2], $0x1390, $0x38;
	[tilespmem:$0x17D80] =	vst v63  }
0x64: {  	s28 =	sadd.s32 $0x1, s28;
	_ =	swait.ge [sflag:s15], $0x1390  }
0x65: {  	p0 =	sne.s32 s28, s14;
	[sflag:s15] =	ssyncset.done $0x0  }
.Ltmp1:
0x66: {  	[sflag:s15] =	ssyncadd.s32 $0xFFFFEC70;
	(pc) =	sbr.rel @p0 .LBB2_1-.Ltmp1, $4  }
0x67: {  	[hbm4b:s13+s4] =	stream.linear.scatter [tilespmem:s26], [sflag:$0x2], $0x1390, $0x38;
	[tilespmem:$0x17D80] =	vst v63  }
0x68: {  	_ =	swait.ge [sflag:s15], $0x1390  }
0x69: {  	[sflag:s15] =	ssyncset.done $0x0  }
0x6a: {  	[sflag:s15] =	ssyncadd.s32 $0xFFFFEC70  }
0x6b: {  	_ =	sfence.sel $0x180000  }
0x6c: {  	[bflag:$0x0] =	sbarrier.arrive $0xFFFF  }
0x6d: {  	_ =	strace $0x90000047  }
0x6e: {  	[bflag:$0x2] =	sbarrier.arrive $0xFFFF  }
0x6f: {  	p0 =	sne.s32 s1, $0x0;
	s0 =	rddreg [dreg:$0x5]  }
0x70: {  	s0 =	sadd.s32 @!p0 $0x100000, s0  }
0x71: {  	[sflag:s0] =	ssyncadd.tile.s32 @!p0 $0x1;
	_ =	shalt  }
.Lfunc_end2:
_tile_overlayer_lowered:
.L_overlay_start_2:
0x72: {  	(tag) =	ssettag $0x2  }
0x73: {  	s0 =	rddreg [dreg:$0x0];
	s2 =	stileid.u32  }
0x74: {  	s1 =	rddreg [dreg:$0x1];
	p0 =	sne.s32 s2, $0x0  }
0x75: {  	s3 =	rddreg [dreg:$0x2];
	[bflag:$0x3] =	sbarrier.arrive $0xFFFF;
	s2 =	simm.s32 @!p0 $0x1C02  }
0x76: {  	[timem:s3], [sflag:s2] =	dma.local @!p0 [hbm:s0], s1  }
0x77: {  	s0 =	simm.s32 @!p0 $0x2  }
0x78: {  	_ =	swait.ge @!p0 [sflag:s0], s1  }
0x79: {  	s1 =	ssub.s32 @!p0 $0x0, s1;
	[sflag:s0] =	ssyncset.done @!p0 $0x0  }
0x7a: {  	[sflag:s0] =	ssyncadd.s32 @!p0 s1  }
0x7b: {  	[bflag:$0x3] =	sbarrier.arrive $0xFFFF  }
0x7c: {  	_ =	shalt  }

</sc_bundles>
